<compile_context>
chip_gen: v7x
topology: tpu7x:2x2x1
jax: 0.10.2.dev20260603
libtpu: 0.0.44.dev20260713+nightly
codegen_flags: <defaults>
</compile_context>

<pallas_src>
import functools

import jax
import jax.numpy as jnp
from jax.experimental import pallas as pl
from jax.experimental.pallas import tpu as pltpu
from jax.experimental.pallas import tpu_sc as plsc

_B, _S, _D = 4096, 50, 64
_N = _B * _S
_V = 100001
_W = 400
_TT = 8192
_SB = 5


def _prep_body(i_ref, o_ref):
    t = jnp.transpose(i_ref[...], (1, 0))
    o_ref[...] = jnp.concatenate([t, t], axis=1)


def _swap_body(i_ref, o_ref):
    o_ref[...] = jnp.transpose(i_ref[:, :, : _D], (0, 2, 1))


def kernel(x, emb_weight):
    idx = x.T.reshape(_N).astype(jnp.int32)

    table = pl.pallas_call(
        _prep_body,
        grid=(pl.cdiv(_V, _TT),),
        in_specs=[pl.BlockSpec((_D, _TT), lambda i: (0, i))],
        out_specs=pl.BlockSpec((_TT, 128), lambda i: (i, 0)),
        out_shape=jax.ShapeDtypeStruct((_V, 128), emb_weight.dtype),
    )(emb_weight.T)

    @functools.partial(
        pl.kernel,
        out_type=jax.ShapeDtypeStruct((_N, 128), emb_weight.dtype),
        mesh=plsc.VectorSubcoreMesh(core_axis_name="c", subcore_axis_name="s"),
    )
    def gather_kernel(table_hbm, idx_hbm, out_hbm):
        def body(idx_vmem, out_vmem):
            pltpu.sync_copy(table_hbm.at[idx_vmem], out_vmem)

        pltpu.emit_pipeline(
            body,
            grid=(_N // _W,),
            in_specs=[pl.BlockSpec((_W,), index_map=lambda i: (i,))],
            out_specs=[pl.BlockSpec((_W, 128), index_map=lambda i: (i, 0))],
            core_axis_name=("c", "s"),
            dimension_semantics=(pltpu.PARALLEL,),
        )(idx_hbm, out_hbm)

    wide = gather_kernel(table, idx).reshape(_S, _B, 128)

    swapped = pl.pallas_call(
        _swap_body,
        grid=(_S // _SB,),
        in_specs=[pl.BlockSpec((_SB, _B, 128), lambda i: (i, 0, 0))],
        out_specs=pl.BlockSpec((_SB, _D, _B), lambda i: (i, 0, 0)),
        out_shape=jax.ShapeDtypeStruct((_S, _D, _B), emb_weight.dtype),
    )(wide)

    return swapped.transpose(2, 0, 1)

# --- scband reference (transcript-rebuilt; emitter-appended) ---
"""Pipeline reference for scband-word-embedding-80075370266945 (READ-ONLY COPY).

The authoritative reference and input builder live on the scoring server;
editing this copy changes nothing except your own understanding.
"""

import jax, jax.numpy as jnp
import numpy as np

NTOKEN = 100000
DIM = 64

def setup_inputs(seed: int = 0) -> dict:
    key = jax.random.key(seed)
    k_idx, k_emb = jax.random.split(key)
    x = jax.random.randint(k_idx, (4096, 50), 0, NTOKEN, dtype=jnp.int64 if jax.config.jax_enable_x64 else jnp.int32)
    # Embedding table has ntoken+1 rows; last row is the padding row (zeros, as in nn.Embedding padding_idx init after zeroing)
    emb = jax.random.normal(k_emb, (NTOKEN + 1, DIM), dtype=jnp.float32)
    emb = emb.at[NTOKEN].set(0.0)
    return {"x": x, "emb_weight": emb}

def reference(x, emb_weight):
    # WordEmbedding.forward with dropout p=0.0 (identity): pure embedding lookup
    out = jnp.take(emb_weight, x, axis=0)
    return out

if __name__ == "__main__":
    import jax
    _d = setup_inputs()
    print(jax.jit(kernel)(*tuple(_d.values())))

</pallas_src>

<mosaic_0001>
#map = affine_map<(d0, d1) -> (0, 0)>
#map1 = affine_map<(d0, d1) -> (0)>
module attributes {stable_mosaic.version = 14 : i64} {
  func.func @gather_kernel(%arg0: i32, %arg1: i32, %arg2: memref<100001x128xf32, #tpu.memory_space<hbm>>, %arg3: memref<204800xi32, #tpu.memory_space<hbm>>, %arg4: memref<204800x128xf32, #tpu.memory_space<hbm>>) attributes {dimension_semantics = [#tpu.dimension_semantics<core_parallel>, #tpu.dimension_semantics<subcore_parallel>], iteration_bounds = array<i64: 2, 16>, scalar_prefetch = 0 : i64, scratch_operands = 0 : i64, tpu.core_type = #tpu.core_type<sc_vector_subcore>, window_params = [{transform_indices = #map}, {transform_indices = #map1}, {transform_indices = #map}]} {
    %mul3A = arith.constant 1 : i32
    %mul3A_0 = arith.muli %arg1, %mul3A : i32
    %add3A = arith.constant 0 : i32
    %add3A_1 = arith.addi %add3A, %mul3A_0 : i32
    %mul3A_2 = arith.constant 16 : i32
    %mul3A_3 = arith.muli %arg0, %mul3A_2 : i32
    %add3A_4 = arith.addi %add3A_1, %mul3A_3 : i32
    %mul3A_5 = arith.constant 16 : i32
    %mul3A_6 = arith.muli %add3A_4, %mul3A_5 : i32
    "tpu.region"() ({
      %run_scoped3A = memref.alloca() : memref<800xi32, #tpu.memory_space<vmem>>
      %run_scoped3A_7 = tpu.sem_alloc : memref<2x!tpu.dma_semaphore, #tpu.memory_space<semaphore_mem>>
      %run_scoped3A_8 = memref.alloca() : memref<2x400x128xf32, #tpu.memory_space<vmem>>
      %run_scoped3A_9 = tpu.sem_alloc : memref<2x!tpu.dma_semaphore, #tpu.memory_space<semaphore_mem>>
      %add3A_10 = arith.constant 0 : i32
      %add3A_11 = arith.addi %add3A_10, %mul3A_6 : i32
      %select_n3A = arith.constant true
      %select_n3A_12 = arith.constant 0 : i32
      %select_n3A_13 = arith.constant -1 : i32
      %select_n3A_14 = arith.select %select_n3A, %select_n3A_13, %select_n3A_12 : i32
      %eq3A = arith.constant -1 : i32
      %eq3A_15 = arith.cmpi eq, %select_n3A_14, %eq3A : i32
      %select_n3A_16 = arith.constant 15 : i32
      %select_n3A_17 = arith.select %eq3A_15, %select_n3A_16, %select_n3A_14 : i32
      %add3A_18 = arith.addi %select_n3A_17, %mul3A_6 : i32
      %select_n3A_19 = arith.constant true
      %select_n3A_20 = arith.constant 0 : i32
      %select_n3A_21 = arith.constant 1 : i32
      %select_n3A_22 = arith.select %select_n3A_19, %select_n3A_21, %select_n3A_20 : i32
      %eq3A_23 = arith.constant 16 : i32
      %eq3A_24 = arith.cmpi eq, %select_n3A_22, %eq3A_23 : i32
      %select_n3A_25 = arith.constant 0 : i32
      %select_n3A_26 = arith.select %eq3A_24, %select_n3A_25, %select_n3A_22 : i32
      %add3A_27 = arith.addi %select_n3A_26, %mul3A_6 : i32
      %add3A_28 = arith.constant 1 : i32
      %add3A_29 = arith.addi %select_n3A_26, %add3A_28 : i32
      %select_n3A_30 = arith.constant true
      %select_n3A_31 = arith.select %select_n3A_30, %add3A_29, %select_n3A_26 : i32
      %eq3A_32 = arith.constant 16 : i32
      %eq3A_33 = arith.cmpi eq, %select_n3A_31, %eq3A_32 : i32
      %select_n3A_34 = arith.constant 0 : i32
      %select_n3A_35 = arith.select %eq3A_33, %select_n3A_34, %select_n3A_31 : i32
      %add3A_36 = arith.addi %select_n3A_35, %mul3A_6 : i32
      "tpu.trace_start"() <{level = 10 : i32, message = "ep_initialize_0"}> : () -> ()
      %rem3A = arith.constant 0 : i32
      %rem3A_37 = arith.constant 2 : i32
      %rem3A_38 = arith.remui %rem3A, %rem3A_37 : i32
      %mul3A_39 = arith.constant 400 : i32
      %mul3A_40 = arith.muli %mul3A_39, %add3A_11 : i32
      %mul3A_41 = arith.constant 400 : i32
      %mul3A_42 = arith.muli %rem3A_38, %mul3A_41 : i32
      %add3A_43 = arith.constant 0 : i32
      %add3A_44 = arith.addi %mul3A_42, %add3A_43 : i32
      %dma_start3A = tpu.memref_slice %run_scoped3A[%add3A_44] : memref<800xi32, #tpu.memory_space<vmem>> -> memref<400xi32, #tpu.memory_space<vmem>>
      %dma_start3A_45 = tpu.memref_slice %arg3[%mul3A_40] : memref<204800xi32, #tpu.memory_space<hbm>> -> memref<400xi32, #tpu.memory_space<hbm>>
      %dma_start3A_46 = tpu.memref_slice %run_scoped3A_7[%rem3A_38] : memref<2x!tpu.dma_semaphore, #tpu.memory_space<semaphore_mem>> -> memref<1x!tpu.dma_semaphore, #tpu.memory_space<semaphore_mem>>
      %dma_start3A_47 = tpu.memref_squeeze %dma_start3A_46 : memref<1x!tpu.dma_semaphore, #tpu.memory_space<semaphore_mem>> -> memref<!tpu.dma_semaphore, #tpu.memory_space<semaphore_mem>>
      %dma_start3A_48 = tpu.memref_slice %run_scoped3A[%add3A_44] : memref<800xi32, #tpu.memory_space<vmem>> -> memref<400xi32, #tpu.memory_space<vmem>>
      %dma_start3A_49 = tpu.memref_slice %arg3[%mul3A_40] : memref<204800xi32, #tpu.memory_space<hbm>> -> memref<400xi32, #tpu.memory_space<hbm>>
      tpu.enqueue_dma source(%dma_start3A_49 : memref<400xi32, #tpu.memory_space<hbm>>) target(%dma_start3A_48 : memref<400xi32, #tpu.memory_space<vmem>>) target_semaphore(%dma_start3A_47 : memref<!tpu.dma_semaphore, #tpu.memory_space<semaphore_mem>>)
      %add3A_50 = arith.constant 0 : i32
      %add3A_51 = arith.constant 1 : i32
      %add3A_52 = arith.addi %add3A_50, %add3A_51 : i32
      %select_n3A_53 = arith.constant true
      %select_n3A_54 = arith.constant 0 : i32
      %select_n3A_55 = arith.select %select_n3A_53, %add3A_52, %select_n3A_54 : i32
      "tpu.trace_stop"() : () -> ()
      %scan3A = arith.constant 0 : i32
      %scan3A_56 = arith.constant 0 : i32
      %scan3A_57 = arith.constant 0 : i32
      %scan3A_58 = arith.constant 0 : i32
      %scan3A_59 = arith.constant 0 : i32
      %scan3A_60 = arith.constant 16 : i32
      %scan3A_61 = arith.addi %scan3A_59, %scan3A_60 : i32
      %scan3A_62 = arith.constant 1 : i32
      %scan3A_63:5 = scf.for %scan3A_117 = %scan3A_59 to %scan3A_61 step %scan3A_62 iter_args(%scan3A_118 = %select_n3A_55, %scan3A_119 = %scan3A, %scan3A_120 = %scan3A_56, %scan3A_121 = %scan3A_57, %scan3A_122 = %scan3A_58) -> (i32, i32, i32, i32, i32)  : i32 {
        %eq3A_123 = arith.constant 0 : i32
        %eq3A_124 = arith.cmpi eq, %scan3A_117, %eq3A_123 : i32
        %eq3A_125 = arith.constant 15 : i32
        %eq3A_126 = arith.cmpi eq, %scan3A_117, %eq3A_125 : i32
        %add3A_127 = arith.addi %scan3A_122, %mul3A_6 : i32
        %sub3A_128 = arith.constant 1 : i32
        %sub3A_129 = arith.subi %scan3A_122, %sub3A_128 : i32
        %select_n3A_130 = arith.constant true
        %select_n3A_131 = arith.select %select_n3A_130, %sub3A_129, %scan3A_122 : i32
        %eq3A_132 = arith.constant -1 : i32
        %eq3A_133 = arith.cmpi eq, %select_n3A_131, %eq3A_132 : i32
        %select_n3A_134 = arith.constant 15 : i32
        %select_n3A_135 = arith.select %eq3A_133, %select_n3A_134, %select_n3A_131 : i32
        %add3A_136 = arith.addi %select_n3A_135, %mul3A_6 : i32
        %add3A_137 = arith.constant 1 : i32
        %add3A_138 = arith.addi %scan3A_122, %add3A_137 : i32
        %select_n3A_139 = arith.constant true
        %select_n3A_140 = arith.select %select_n3A_139, %add3A_138, %scan3A_122 : i32
        %eq3A_141 = arith.constant 16 : i32
        %eq3A_142 = arith.cmpi eq, %select_n3A_140, %eq3A_141 : i32
        %select_n3A_143 = arith.constant 0 : i32
        %select_n3A_144 = arith.select %eq3A_142, %select_n3A_143, %select_n3A_140 : i32
        %add3A_145 = arith.addi %select_n3A_144, %mul3A_6 : i32
        %add3A_146 = arith.constant 1 : i32
        %add3A_147 = arith.addi %select_n3A_144, %add3A_146 : i32
        %select_n3A_148 = arith.constant true
        %select_n3A_149 = arith.select %select_n3A_148, %add3A_147, %select_n3A_144 : i32
        %eq3A_150 = arith.constant 16 : i32
        %eq3A_151 = arith.cmpi eq, %select_n3A_149, %eq3A_150 : i32
        %select_n3A_152 = arith.constant 0 : i32
        %select_n3A_153 = arith.select %eq3A_151, %select_n3A_152, %select_n3A_149 : i32
        %add3A_154 = arith.addi %select_n3A_153, %mul3A_6 : i32
        %ne3A = arith.cmpi ne, %add3A_127, %add3A_145 : i32
        %or3A = arith.constant false
        %or3A_155 = arith.ori %or3A, %ne3A : i1
        %ge3A = arith.constant 15 : i32
        %ge3A_156 = arith.cmpi sge, %scan3A_117, %ge3A : i32
        %not3A = arith.constant true
        %not3A_157 = arith.xori %ge3A_156, %not3A : i1
        %and3A = arith.andi %or3A_155, %not3A_157 : i1
        %convert_element_type3A = arith.extui %and3A : i1 to i32
        %cond3A = arith.constant 0 : i32
        %cond3A_158 = arith.cmpi ne, %convert_element_type3A, %cond3A : i32
        scf.if %cond3A_158 {
          "tpu.trace_start"() <{level = 10 : i32, message = "ep_copy_in"}> : () -> ()
          %rem3A_261 = arith.constant 2 : i32
          %rem3A_262 = arith.remui %scan3A_118, %rem3A_261 : i32
          %mul3A_263 = arith.constant 400 : i32
          %mul3A_264 = arith.muli %mul3A_263, %add3A_145 : i32
          %mul3A_265 = arith.constant 400 : i32
          %mul3A_266 = arith.muli %rem3A_262, %mul3A_265 : i32
          %add3A_267 = arith.constant 0 : i32
          %add3A_268 = arith.addi %mul3A_266, %add3A_267 : i32
          %dma_start3A_269 = tpu.memref_slice %run_scoped3A[%add3A_268] : memref<800xi32, #tpu.memory_space<vmem>> -> memref<400xi32, #tpu.memory_space<vmem>>
          %dma_start3A_270 = tpu.memref_slice %arg3[%mul3A_264] : memref<204800xi32, #tpu.memory_space<hbm>> -> memref<400xi32, #tpu.memory_space<hbm>>
          %dma_start3A_271 = tpu.memref_slice %run_scoped3A_7[%rem3A_262] : memref<2x!tpu.dma_semaphore, #tpu.memory_space<semaphore_mem>> -> memref<1x!tpu.dma_semaphore, #tpu.memory_space<semaphore_mem>>
          %dma_start3A_272 = tpu.memref_squeeze %dma_start3A_271 : memref<1x!tpu.dma_semaphore, #tpu.memory_space<semaphore_mem>> -> memref<!tpu.dma_semaphore, #tpu.memory_space<semaphore_mem>>
          %dma_start3A_273 = tpu.memref_slice %run_scoped3A[%add3A_268] : memref<800xi32, #tpu.memory_space<vmem>> -> memref<400xi32, #tpu.memory_space<vmem>>
          %dma_start3A_274 = tpu.memref_slice %arg3[%mul3A_264] : memref<204800xi32, #tpu.memory_space<hbm>> -> memref<400xi32, #tpu.memory_space<hbm>>
          tpu.enqueue_dma source(%dma_start3A_274 : memref<400xi32, #tpu.memory_space<hbm>>) target(%dma_start3A_273 : memref<400xi32, #tpu.memory_space<vmem>>) target_semaphore(%dma_start3A_272 : memref<!tpu.dma_semaphore, #tpu.memory_space<semaphore_mem>>)
          "tpu.trace_stop"() : () -> ()
        } else {
        }
        %and3A_159 = arith.constant true
        %and3A_160 = arith.andi %and3A, %and3A_159 : i1
        %add3A_161 = arith.constant 1 : i32
        %add3A_162 = arith.addi %scan3A_118, %add3A_161 : i32
        %select_n3A_163 = arith.select %and3A_160, %add3A_162, %scan3A_118 : i32
        %ne3A_164 = arith.cmpi ne, %add3A_127, %add3A_145 : i32
        %or3A_165 = arith.constant false
        %or3A_166 = arith.ori %or3A_165, %ne3A_164 : i1
        %or3A_167 = arith.constant false
        %or3A_168 = arith.ori %or3A_166, %or3A_167 : i1
        %ge3A_169 = arith.constant 15 : i32
        %ge3A_170 = arith.cmpi sge, %scan3A_117, %ge3A_169 : i32
        %not3A_171 = arith.constant true
        %not3A_172 = arith.xori %ge3A_170, %not3A_171 : i1
        %and3A_173 = arith.andi %or3A_168, %not3A_172 : i1
        %ne3A_174 = arith.cmpi ne, %add3A_127, %add3A_136 : i32
        %or3A_175 = arith.constant false
        %or3A_176 = arith.ori %or3A_175, %ne3A_174 : i1
        %or3A_177 = arith.ori %or3A_176, %eq3A_124 : i1
        %convert_element_type3A_178 = arith.extui %or3A_177 : i1 to i32
        %cond3A_179 = arith.constant 0 : i32
        %cond3A_180 = arith.cmpi ne, %convert_element_type3A_178, %cond3A_179 : i32
        scf.if %cond3A_180 {
          "tpu.trace_start"() <{level = 10 : i32, message = "ep_wait_in"}> : () -> ()
          %mul3A_261 = arith.constant 400 : i32
          %mul3A_262 = arith.muli %mul3A_261, %add3A_127 : i32
          %rem3A_263 = arith.constant 2 : i32
          %rem3A_264 = arith.remui %scan3A_119, %rem3A_263 : i32
          %mul3A_265 = arith.constant 400 : i32
          %mul3A_266 = arith.muli %rem3A_264, %mul3A_265 : i32
          %add3A_267 = arith.constant 0 : i32
          %add3A_268 = arith.addi %mul3A_266, %add3A_267 : i32
          %dma_wait3A_269 = tpu.memref_slice %run_scoped3A[%add3A_268] : memref<800xi32, #tpu.memory_space<vmem>> -> memref<400xi32, #tpu.memory_space<vmem>>
          %dma_wait3A_270 = tpu.memref_slice %arg3[%mul3A_262] : memref<204800xi32, #tpu.memory_space<hbm>> -> memref<400xi32, #tpu.memory_space<hbm>>
          %dma_wait3A_271 = tpu.memref_slice %run_scoped3A_7[%rem3A_264] : memref<2x!tpu.dma_semaphore, #tpu.memory_space<semaphore_mem>> -> memref<1x!tpu.dma_semaphore, #tpu.memory_space<semaphore_mem>>
          %dma_wait3A_272 = tpu.memref_squeeze %dma_wait3A_271 : memref<1x!tpu.dma_semaphore, #tpu.memory_space<semaphore_mem>> -> memref<!tpu.dma_semaphore, #tpu.memory_space<semaphore_mem>>
          %dma_wait3A_273 = tpu.memref_slice %run_scoped3A[%add3A_268] : memref<800xi32, #tpu.memory_space<vmem>> -> memref<400xi32, #tpu.memory_space<vmem>>
          %dma_wait3A_274 = tpu.memref_slice %arg3[%mul3A_262] : memref<204800xi32, #tpu.memory_space<hbm>> -> memref<400xi32, #tpu.memory_space<hbm>>
          tpu.wait_dma2 semaphore(%dma_wait3A_272 : memref<!tpu.dma_semaphore, #tpu.memory_space<semaphore_mem>>) src(%dma_wait3A_274 : memref<400xi32, #tpu.memory_space<hbm>>) dst(%dma_wait3A_273 : memref<400xi32, #tpu.memory_space<vmem>>)
          "tpu.trace_stop"() : () -> ()
        } else {
        }
        %ne3A_181 = arith.cmpi ne, %add3A_127, %add3A_136 : i32
        %or3A_182 = arith.constant false
        %or3A_183 = arith.ori %or3A_182, %ne3A_181 : i1
        %or3A_184 = arith.constant false
        %or3A_185 = arith.ori %or3A_183, %or3A_184 : i1
        %or3A_186 = arith.ori %or3A_185, %eq3A_124 : i1
        %convert_element_type3A_187 = arith.extui %or3A_186 : i1 to i32
        %cond3A_188 = arith.constant 0 : i32
        %cond3A_189 = arith.cmpi ne, %convert_element_type3A_187, %cond3A_188 : i32
        scf.if %cond3A_189 {
        } else {
        }
        %rem3A_190 = arith.constant 2 : i32
        %rem3A_191 = arith.remui %scan3A_119, %rem3A_190 : i32
        %mul3A_192 = arith.constant 400 : i32
        %mul3A_193 = arith.muli %rem3A_191, %mul3A_192 : i32
        %rem3A_194 = arith.constant 2 : i32
        %rem3A_195 = arith.remui %scan3A_120, %rem3A_194 : i32
        "tpu.trace_start"() <{level = 10 : i32, message = "ep_run_kernel"}> : () -> ()
        "tpu.region"() ({
          %run_scoped3A_261 = tpu.sem_alloc : memref<!tpu.dma_semaphore, #tpu.memory_space<semaphore_mem>>
          %dma_start3A_262 = arith.constant 0 : i32
          %dma_start3A_263 = arith.constant 0 : i32
          %dma_start3A_264 = tpu.memref_slice %run_scoped3A_8[%rem3A_195, %dma_start3A_262, %dma_start3A_263] : memref<2x400x128xf32, #tpu.memory_space<vmem>> -> memref<1x400x128xf32, #tpu.memory_space<vmem>>
          %dma_start3A_265 = tpu.memref_squeeze %dma_start3A_264 : memref<1x400x128xf32, #tpu.memory_space<vmem>> -> memref<400x128xf32, #tpu.memory_space<vmem>>
          %dma_start3A_266 = tpu.memref_slice %run_scoped3A[%mul3A_193] : memref<800xi32, #tpu.memory_space<vmem>> -> memref<400xi32, #tpu.memory_space<vmem>>
          %dma_start3A_267 = arith.constant 0 : i32
          %dma_start3A_268 = arith.constant 0 : i32
          %dma_start3A_269 = tpu.memref_slice %arg2[%dma_start3A_267, %dma_start3A_268] : memref<100001x128xf32, #tpu.memory_space<hbm>> -> memref<100001x128xf32, #tpu.memory_space<hbm>>
          tpu.enqueue_indirect_dma source(%dma_start3A_269 : memref<100001x128xf32, #tpu.memory_space<hbm>>) target(%dma_start3A_265 : memref<400x128xf32, #tpu.memory_space<vmem>>) offsets(%dma_start3A_266 : memref<400xi32, #tpu.memory_space<vmem>>) semaphore(%run_scoped3A_261 : memref<!tpu.dma_semaphore, #tpu.memory_space<semaphore_mem>>)
          %dma_wait3A_270 = arith.constant 0 : i32
          %dma_wait3A_271 = arith.constant 0 : i32
          %dma_wait3A_272 = tpu.memref_slice %run_scoped3A_8[%rem3A_195, %dma_wait3A_270, %dma_wait3A_271] : memref<2x400x128xf32, #tpu.memory_space<vmem>> -> memref<1x400x128xf32, #tpu.memory_space<vmem>>
          %dma_wait3A_273 = tpu.memref_squeeze %dma_wait3A_272 : memref<1x400x128xf32, #tpu.memory_space<vmem>> -> memref<400x128xf32, #tpu.memory_space<vmem>>
          %dma_wait3A_274 = tpu.memref_slice %run_scoped3A[%mul3A_193] : memref<800xi32, #tpu.memory_space<vmem>> -> memref<400xi32, #tpu.memory_space<vmem>>
          %dma_wait3A_275 = arith.constant 0 : i32
          %dma_wait3A_276 = arith.constant 0 : i32
          %dma_wait3A_277 = tpu.memref_slice %arg2[%dma_wait3A_275, %dma_wait3A_276] : memref<100001x128xf32, #tpu.memory_space<hbm>> -> memref<100001x128xf32, #tpu.memory_space<hbm>>
          tpu.wait_indirect_dma semaphore(%run_scoped3A_261 : memref<!tpu.dma_semaphore, #tpu.memory_space<semaphore_mem>>) src(%dma_wait3A_277 : memref<100001x128xf32, #tpu.memory_space<hbm>>) dst(%dma_wait3A_273 : memref<400x128xf32, #tpu.memory_space<vmem>>)
          tpu.yield
        }) : () -> ()
        "tpu.trace_stop"() : () -> ()
        %ne3A_196 = arith.cmpi ne, %add3A_127, %add3A_145 : i32
        %or3A_197 = arith.constant false
        %or3A_198 = arith.ori %or3A_197, %ne3A_196 : i1
        %or3A_199 = arith.ori %or3A_198, %eq3A_126 : i1
        %convert_element_type3A_200 = arith.extui %or3A_199 : i1 to i32
        %cond3A_201 = arith.constant 0 : i32
        %cond3A_202 = arith.cmpi ne, %convert_element_type3A_200, %cond3A_201 : i32
        scf.if %cond3A_202 {
        } else {
        }
        %and3A_203 = arith.constant false
        %and3A_204 = arith.andi %or3A_199, %and3A_203 : i1
        %ne3A_205 = arith.cmpi ne, %add3A_127, %add3A_145 : i32
        %or3A_206 = arith.constant false
        %or3A_207 = arith.ori %or3A_206, %ne3A_205 : i1
        %or3A_208 = arith.constant false
        %or3A_209 = arith.ori %or3A_207, %or3A_208 : i1
        %or3A_210 = arith.ori %or3A_209, %eq3A_126 : i1
        %convert_element_type3A_211 = arith.extui %or3A_210 : i1 to i32
        %cond3A_212 = arith.constant 0 : i32
        %cond3A_213 = arith.cmpi ne, %convert_element_type3A_211, %cond3A_212 : i32
        scf.if %cond3A_213 {
          "tpu.trace_start"() <{level = 10 : i32, message = "ep_copy_out"}> : () -> ()
          %rem3A_261 = arith.constant 2 : i32
          %rem3A_262 = arith.remui %scan3A_120, %rem3A_261 : i32
          %mul3A_263 = arith.constant 400 : i32
          %mul3A_264 = arith.muli %mul3A_263, %add3A_127 : i32
          %dma_start3A_265 = arith.constant 0 : i32
          %dma_start3A_266 = arith.constant 0 : i32
          %dma_start3A_267 = tpu.memref_slice %run_scoped3A_8[%rem3A_262, %dma_start3A_265, %dma_start3A_266] : memref<2x400x128xf32, #tpu.memory_space<vmem>> -> memref<1x400x128xf32, #tpu.memory_space<vmem>>
          %dma_start3A_268 = tpu.memref_squeeze %dma_start3A_267 : memref<1x400x128xf32, #tpu.memory_space<vmem>> -> memref<400x128xf32, #tpu.memory_space<vmem>>
          %dma_start3A_269 = arith.constant 0 : i32
          %dma_start3A_270 = tpu.memref_slice %arg4[%mul3A_264, %dma_start3A_269] : memref<204800x128xf32, #tpu.memory_space<hbm>> -> memref<400x128xf32, #tpu.memory_space<hbm>>
          %dma_start3A_271 = tpu.memref_slice %run_scoped3A_9[%rem3A_262] : memref<2x!tpu.dma_semaphore, #tpu.memory_space<semaphore_mem>> -> memref<1x!tpu.dma_semaphore, #tpu.memory_space<semaphore_mem>>
          %dma_start3A_272 = tpu.memref_squeeze %dma_start3A_271 : memref<1x!tpu.dma_semaphore, #tpu.memory_space<semaphore_mem>> -> memref<!tpu.dma_semaphore, #tpu.memory_space<semaphore_mem>>
          %dma_start3A_273 = arith.constant 0 : i32
          %dma_start3A_274 = tpu.memref_slice %arg4[%mul3A_264, %dma_start3A_273] : memref<204800x128xf32, #tpu.memory_space<hbm>> -> memref<400x128xf32, #tpu.memory_space<hbm>>
          %dma_start3A_275 = arith.constant 0 : i32
          %dma_start3A_276 = arith.constant 0 : i32
          %dma_start3A_277 = tpu.memref_slice %run_scoped3A_8[%rem3A_262, %dma_start3A_275, %dma_start3A_276] : memref<2x400x128xf32, #tpu.memory_space<vmem>> -> memref<1x400x128xf32, #tpu.memory_space<vmem>>
          %dma_start3A_278 = tpu.memref_squeeze %dma_start3A_277 : memref<1x400x128xf32, #tpu.memory_space<vmem>> -> memref<400x128xf32, #tpu.memory_space<vmem>>
          tpu.enqueue_dma source(%dma_start3A_278 : memref<400x128xf32, #tpu.memory_space<vmem>>) target(%dma_start3A_274 : memref<400x128xf32, #tpu.memory_space<hbm>>) target_semaphore(%dma_start3A_272 : memref<!tpu.dma_semaphore, #tpu.memory_space<semaphore_mem>>)
          "tpu.trace_stop"() : () -> ()
        } else {
        }
        %and3A_214 = arith.constant true
        %and3A_215 = arith.andi %or3A_210, %and3A_214 : i1
        %add3A_216 = arith.constant 1 : i32
        %add3A_217 = arith.addi %scan3A_120, %add3A_216 : i32
        %select_n3A_218 = arith.select %and3A_215, %add3A_217, %scan3A_120 : i32
        %ne3A_219 = arith.cmpi ne, %add3A_127, %add3A_136 : i32
        %or3A_220 = arith.constant false
        %or3A_221 = arith.ori %or3A_220, %ne3A_219 : i1
        %not3A_222 = arith.constant true
        %not3A_223 = arith.xori %eq3A_124, %not3A_222 : i1
        %and3A_224 = arith.andi %or3A_221, %not3A_223 : i1
        %convert_element_type3A_225 = arith.extui %and3A_224 : i1 to i32
        %cond3A_226 = arith.constant 0 : i32
        %cond3A_227 = arith.cmpi ne, %convert_element_type3A_225, %cond3A_226 : i32
        scf.if %cond3A_227 {
        } else {
        }
        %and3A_228 = arith.constant false
        %and3A_229 = arith.andi %and3A_224, %and3A_228 : i1
        %ne3A_230 = arith.cmpi ne, %add3A_127, %add3A_136 : i32
        %or3A_231 = arith.constant false
        %or3A_232 = arith.ori %or3A_231, %ne3A_230 : i1
        %or3A_233 = arith.constant false
        %or3A_234 = arith.ori %or3A_232, %or3A_233 : i1
        %not3A_235 = arith.constant true
        %not3A_236 = arith.xori %eq3A_124, %not3A_235 : i1
        %and3A_237 = arith.andi %or3A_234, %not3A_236 : i1
        %convert_element_type3A_238 = arith.extui %and3A_237 : i1 to i32
        %cond3A_239 = arith.constant 0 : i32
        %cond3A_240 = arith.cmpi ne, %convert_element_type3A_238, %cond3A_239 : i32
        scf.if %cond3A_240 {
          "tpu.trace_start"() <{level = 10 : i32, message = "ep_wait_out"}> : () -> ()
          %rem3A_261 = arith.constant 2 : i32
          %rem3A_262 = arith.remui %scan3A_121, %rem3A_261 : i32
          %mul3A_263 = arith.constant 400 : i32
          %mul3A_264 = arith.muli %mul3A_263, %add3A_136 : i32
          %dma_wait3A_265 = arith.constant 0 : i32
          %dma_wait3A_266 = arith.constant 0 : i32
          %dma_wait3A_267 = tpu.memref_slice %run_scoped3A_8[%rem3A_262, %dma_wait3A_265, %dma_wait3A_266] : memref<2x400x128xf32, #tpu.memory_space<vmem>> -> memref<1x400x128xf32, #tpu.memory_space<vmem>>
          %dma_wait3A_268 = tpu.memref_squeeze %dma_wait3A_267 : memref<1x400x128xf32, #tpu.memory_space<vmem>> -> memref<400x128xf32, #tpu.memory_space<vmem>>
          %dma_wait3A_269 = arith.constant 0 : i32
          %dma_wait3A_270 = tpu.memref_slice %arg4[%mul3A_264, %dma_wait3A_269] : memref<204800x128xf32, #tpu.memory_space<hbm>> -> memref<400x128xf32, #tpu.memory_space<hbm>>
          %dma_wait3A_271 = tpu.memref_slice %run_scoped3A_9[%rem3A_262] : memref<2x!tpu.dma_semaphore, #tpu.memory_space<semaphore_mem>> -> memref<1x!tpu.dma_semaphore, #tpu.memory_space<semaphore_mem>>
          %dma_wait3A_272 = tpu.memref_squeeze %dma_wait3A_271 : memref<1x!tpu.dma_semaphore, #tpu.memory_space<semaphore_mem>> -> memref<!tpu.dma_semaphore, #tpu.memory_space<semaphore_mem>>
          %dma_wait3A_273 = arith.constant 0 : i32
          %dma_wait3A_274 = tpu.memref_slice %arg4[%mul3A_264, %dma_wait3A_273] : memref<204800x128xf32, #tpu.memory_space<hbm>> -> memref<400x128xf32, #tpu.memory_space<hbm>>
          %dma_wait3A_275 = arith.constant 0 : i32
          %dma_wait3A_276 = arith.constant 0 : i32
          %dma_wait3A_277 = tpu.memref_slice %run_scoped3A_8[%rem3A_262, %dma_wait3A_275, %dma_wait3A_276] : memref<2x400x128xf32, #tpu.memory_space<vmem>> -> memref<1x400x128xf32, #tpu.memory_space<vmem>>
          %dma_wait3A_278 = tpu.memref_squeeze %dma_wait3A_277 : memref<1x400x128xf32, #tpu.memory_space<vmem>> -> memref<400x128xf32, #tpu.memory_space<vmem>>
          tpu.wait_dma2 semaphore(%dma_wait3A_272 : memref<!tpu.dma_semaphore, #tpu.memory_space<semaphore_mem>>) src(%dma_wait3A_278 : memref<400x128xf32, #tpu.memory_space<vmem>>) dst(%dma_wait3A_274 : memref<400x128xf32, #tpu.memory_space<hbm>>)
          "tpu.trace_stop"() : () -> ()
        } else {
        }
        %and3A_241 = arith.constant true
        %and3A_242 = arith.andi %and3A_237, %and3A_241 : i1
        %add3A_243 = arith.constant 1 : i32
        %add3A_244 = arith.addi %scan3A_121, %add3A_243 : i32
        %select_n3A_245 = arith.select %and3A_242, %add3A_244, %scan3A_121 : i32
        %ne3A_246 = arith.cmpi ne, %add3A_127, %add3A_145 : i32
        %or3A_247 = arith.constant false
        %or3A_248 = arith.ori %or3A_247, %ne3A_246 : i1
        %or3A_249 = arith.ori %or3A_248, %eq3A_126 : i1
        %add3A_250 = arith.constant 1 : i32
        %add3A_251 = arith.addi %scan3A_119, %add3A_250 : i32
        %select_n3A_252 = arith.select %or3A_249, %add3A_251, %scan3A_119 : i32
        %add3A_253 = arith.constant 1 : i32
        %add3A_254 = arith.addi %scan3A_122, %add3A_253 : i32
        %select_n3A_255 = arith.constant true
        %select_n3A_256 = arith.select %select_n3A_255, %add3A_254, %scan3A_122 : i32
        %eq3A_257 = arith.constant 16 : i32
        %eq3A_258 = arith.cmpi eq, %select_n3A_256, %eq3A_257 : i32
        %select_n3A_259 = arith.constant 0 : i32
        %select_n3A_260 = arith.select %eq3A_258, %select_n3A_259, %select_n3A_256 : i32
        scf.yield %select_n3A_163, %select_n3A_252, %select_n3A_218, %select_n3A_245, %select_n3A_260 : i32, i32, i32, i32, i32
      }
      %scan3A_64 = arith.constant 16 : i32
      %sub3A = arith.constant 1 : i32
      %sub3A_65 = arith.subi %scan3A_63#4, %sub3A : i32
      %select_n3A_66 = arith.constant true
      %select_n3A_67 = arith.select %select_n3A_66, %sub3A_65, %scan3A_63#4 : i32
      %eq3A_68 = arith.constant -1 : i32
      %eq3A_69 = arith.cmpi eq, %select_n3A_67, %eq3A_68 : i32
      %select_n3A_70 = arith.constant 15 : i32
      %select_n3A_71 = arith.select %eq3A_69, %select_n3A_70, %select_n3A_67 : i32
      %add3A_72 = arith.addi %select_n3A_71, %mul3A_6 : i32
      %sub3A_73 = arith.constant 1 : i32
      %sub3A_74 = arith.subi %select_n3A_71, %sub3A_73 : i32
      %select_n3A_75 = arith.constant true
      %select_n3A_76 = arith.select %select_n3A_75, %sub3A_74, %select_n3A_71 : i32
      %eq3A_77 = arith.constant -1 : i32
      %eq3A_78 = arith.cmpi eq, %select_n3A_76, %eq3A_77 : i32
      %select_n3A_79 = arith.constant 15 : i32
      %select_n3A_80 = arith.select %eq3A_78, %select_n3A_79, %select_n3A_76 : i32
      %add3A_81 = arith.addi %select_n3A_80, %mul3A_6 : i32
      %add3A_82 = arith.constant 1 : i32
      %add3A_83 = arith.addi %select_n3A_71, %add3A_82 : i32
      %select_n3A_84 = arith.constant true
      %select_n3A_85 = arith.select %select_n3A_84, %add3A_83, %select_n3A_71 : i32
      %eq3A_86 = arith.constant 16 : i32
      %eq3A_87 = arith.cmpi eq, %select_n3A_85, %eq3A_86 : i32
      %select_n3A_88 = arith.constant 0 : i32
      %select_n3A_89 = arith.select %eq3A_87, %select_n3A_88, %select_n3A_85 : i32
      %add3A_90 = arith.addi %select_n3A_89, %mul3A_6 : i32
      %add3A_91 = arith.constant 1 : i32
      %add3A_92 = arith.addi %select_n3A_89, %add3A_91 : i32
      %select_n3A_93 = arith.constant true
      %select_n3A_94 = arith.select %select_n3A_93, %add3A_92, %select_n3A_89 : i32
      %eq3A_95 = arith.constant 16 : i32
      %eq3A_96 = arith.cmpi eq, %select_n3A_94, %eq3A_95 : i32
      %select_n3A_97 = arith.constant 0 : i32
      %select_n3A_98 = arith.select %eq3A_96, %select_n3A_97, %select_n3A_94 : i32
      %add3A_99 = arith.addi %select_n3A_98, %mul3A_6 : i32
      "tpu.trace_start"() <{level = 10 : i32, message = "ep_finalize"}> : () -> ()
      %rem3A_100 = arith.constant 2 : i32
      %rem3A_101 = arith.remui %scan3A_63#3, %rem3A_100 : i32
      %mul3A_102 = arith.constant 400 : i32
      %mul3A_103 = arith.muli %mul3A_102, %add3A_72 : i32
      %dma_wait3A = arith.constant 0 : i32
      %dma_wait3A_104 = arith.constant 0 : i32
      %dma_wait3A_105 = tpu.memref_slice %run_scoped3A_8[%rem3A_101, %dma_wait3A, %dma_wait3A_104] : memref<2x400x128xf32, #tpu.memory_space<vmem>> -> memref<1x400x128xf32, #tpu.memory_space<vmem>>
      %dma_wait3A_106 = tpu.memref_squeeze %dma_wait3A_105 : memref<1x400x128xf32, #tpu.memory_space<vmem>> -> memref<400x128xf32, #tpu.memory_space<vmem>>
      %dma_wait3A_107 = arith.constant 0 : i32
      %dma_wait3A_108 = tpu.memref_slice %arg4[%mul3A_103, %dma_wait3A_107] : memref<204800x128xf32, #tpu.memory_space<hbm>> -> memref<400x128xf32, #tpu.memory_space<hbm>>
      %dma_wait3A_109 = tpu.memref_slice %run_scoped3A_9[%rem3A_101] : memref<2x!tpu.dma_semaphore, #tpu.memory_space<semaphore_mem>> -> memref<1x!tpu.dma_semaphore, #tpu.memory_space<semaphore_mem>>
      %dma_wait3A_110 = tpu.memref_squeeze %dma_wait3A_109 : memref<1x!tpu.dma_semaphore, #tpu.memory_space<semaphore_mem>> -> memref<!tpu.dma_semaphore, #tpu.memory_space<semaphore_mem>>
      %dma_wait3A_111 = arith.constant 0 : i32
      %dma_wait3A_112 = tpu.memref_slice %arg4[%mul3A_103, %dma_wait3A_111] : memref<204800x128xf32, #tpu.memory_space<hbm>> -> memref<400x128xf32, #tpu.memory_space<hbm>>
      %dma_wait3A_113 = arith.constant 0 : i32
      %dma_wait3A_114 = arith.constant 0 : i32
      %dma_wait3A_115 = tpu.memref_slice %run_scoped3A_8[%rem3A_101, %dma_wait3A_113, %dma_wait3A_114] : memref<2x400x128xf32, #tpu.memory_space<vmem>> -> memref<1x400x128xf32, #tpu.memory_space<vmem>>
      %dma_wait3A_116 = tpu.memref_squeeze %dma_wait3A_115 : memref<1x400x128xf32, #tpu.memory_space<vmem>> -> memref<400x128xf32, #tpu.memory_space<vmem>>
      tpu.wait_dma2 semaphore(%dma_wait3A_110 : memref<!tpu.dma_semaphore, #tpu.memory_space<semaphore_mem>>) src(%dma_wait3A_116 : memref<400x128xf32, #tpu.memory_space<vmem>>) dst(%dma_wait3A_112 : memref<400x128xf32, #tpu.memory_space<hbm>>)
      "tpu.trace_stop"() : () -> ()
      tpu.yield
    }) : () -> ()
    return
  }
}

module attributes {stable_mosaic.version = 14 : i64} {
  func.func @_prep_body(%arg0: i32, %arg1: memref<64x8192xf32, #tpu.memory_space<vmem>>, %arg2: memref<8192x128xf32, #tpu.memory_space<vmem>>) attributes {dimension_semantics = [#tpu.dimension_semantics<arbitrary>], iteration_bounds = array<i64: 13>, scalar_prefetch = 0 : i64, scratch_operands = 0 : i64, tpu.core_type = #tpu.core_type<tc>, window_params = [{transform_indices = @transform_0, window_bounds = array<i64: 64, 8192>}, {transform_indices = @transform_1, window_bounds = array<i64: 8192, 128>}]} {
    %get3A = arith.constant 0 : index
    %get3A_0 = arith.constant 0 : index
    %get3A_1 = vector.load %arg1[%get3A, %get3A_0] : memref<64x8192xf32, #tpu.memory_space<vmem>>, vector<64x8192xf32>
    %transpose3A = tpu.transpose %get3A_1, [1, 0] : vector<64x8192xf32> -> vector<8192x64xf32>
    %concatenate3A = tpu.concatenate %transpose3A, %transpose3A in 1 : vector<8192x64xf32>, vector<8192x64xf32> -> vector<8192x128xf32>
    %swap3A = arith.constant 0 : index
    %swap3A_2 = arith.constant 0 : index
    %swap3A_3 = vector.load %arg2[%swap3A, %swap3A_2] : memref<8192x128xf32, #tpu.memory_space<vmem>>, vector<8192x128xf32>
    tpu.vector_store %arg2[%swap3A, %swap3A_2], %concatenate3A {strides = array<i32>} : memref<8192x128xf32, #tpu.memory_space<vmem>>, vector<8192x128xf32>,
    return
  }
  func.func @transform_0(%arg0: i32) -> (i32, i32) {
    %c0_i32 = arith.constant 0 : i32
    %c0_i32_0 = arith.constant 0 : i32
    return %c0_i32, %arg0 : i32, i32
  }
  func.func @transform_1(%arg0: i32) -> (i32, i32) {
    %c0_i32 = arith.constant 0 : i32
    %c0_i32_0 = arith.constant 0 : i32
    return %arg0, %c0_i32 : i32, i32
  }
}

module attributes {stable_mosaic.version = 14 : i64} {
  func.func @_swap_body(%arg0: i32, %arg1: memref<5x4096x128xf32, #tpu.memory_space<vmem>>, %arg2: memref<5x64x4096xf32, #tpu.memory_space<vmem>>) attributes {dimension_semantics = [#tpu.dimension_semantics<arbitrary>], iteration_bounds = array<i64: 10>, scalar_prefetch = 0 : i64, scratch_operands = 0 : i64, tpu.core_type = #tpu.core_type<tc>, window_params = [{transform_indices = @transform_0, window_bounds = array<i64: 5, 4096, 128>}, {transform_indices = @transform_1, window_bounds = array<i64: 5, 64, 4096>}]} {
    %get3A = arith.constant 0 : index
    %get3A_0 = arith.constant 0 : index
    %get3A_1 = arith.constant 0 : index
    %get3A_2 = vector.load %arg1[%get3A, %get3A_0, %get3A_1] : memref<5x4096x128xf32, #tpu.memory_space<vmem>>, vector<5x4096x64xf32>
    %transpose3A = tpu.transpose %get3A_2, [0, 2, 1] : vector<5x4096x64xf32> -> vector<5x64x4096xf32>
    %swap3A = arith.constant 0 : index
    %swap3A_3 = arith.constant 0 : index
    %swap3A_4 = arith.constant 0 : index
    %swap3A_5 = vector.load %arg2[%swap3A, %swap3A_3, %swap3A_4] : memref<5x64x4096xf32, #tpu.memory_space<vmem>>, vector<5x64x4096xf32>
    tpu.vector_store %arg2[%swap3A, %swap3A_3, %swap3A_4], %transpose3A {strides = array<i32>} : memref<5x64x4096xf32, #tpu.memory_space<vmem>>, vector<5x64x4096xf32>,
    return
  }
  func.func @transform_0(%arg0: i32) -> (i32, i32, i32) {
    %c0_i32 = arith.constant 0 : i32
    %c0_i32_0 = arith.constant 0 : i32
    %c0_i32_1 = arith.constant 0 : i32
    return %arg0, %c0_i32, %c0_i32_0 : i32, i32, i32
  }
  func.func @transform_1(%arg0: i32) -> (i32, i32, i32) {
    %c0_i32 = arith.constant 0 : i32
    %c0_i32_0 = arith.constant 0 : i32
    %c0_i32_1 = arith.constant 0 : i32
    return %arg0, %c0_i32, %c0_i32_0 : i32, i32, i32
  }
}

</mosaic_0001>

<sc_bundles>
// kernel: kernel.5.cloned.1.call-start
scs
__scs_entry_jumppad:
0x0: {  	(pc) =	sbr.rel $0x88, $3  }
0x1: {  	(tag) =	ssettag $0x0;
	lr =	simm.s32 $0x1  }
0x2: {  	[smem:$0x3F9F] =	sst lr;
	_ =	strace $0xD0000000  }
0x3: {  	_ = 	snop  }
0x4: {  	_ = 	snop  }
0x5: {  	_ = 	snop  }
0x6: {  	_ = 	snop  }
0x7: {  	_ = 	snop  }
__scs_overlays_trampoline_lowered:
0x8: {  	[smem:$0x3FAE] =	sst s0  }
0x9: {  	[smem:$0x3FAF] =	sst s1  }
0xa: {  	[smem:$0x3FB0] =	sst s2  }
0xb: {  	[smem:$0x3FB1] =	sst s3  }
0xc: {  	[smem:$0x3FB2] =	sst s4  }
0xd: {  	[smem:$0x3FB3] =	sst s5  }
0xe: {  	[smem:$0x3FB4] =	sst s6  }
0xf: {  	[smem:$0x3FB5] =	sst s7  }
0x10: {  	[smem:$0x3FB6] =	sst s8  }
0x11: {  	[smem:$0x3FB7] =	sst s9;
	s0 =	simm.s32 @!p0 $0x0  }
0x12: {  	s1 =	sld [smem:$0x3F9D];
	s0 =	simm.s32 @p0 $0x1  }
0x13: {  	[smem:$0x3FB8] =	sst s0;
	s0 =	simm.s32 @!p1 $0x0  }
0x14: {  	s2 =	sld [smem:$0x3F9C];
	s0 =	simm.s32 @p1 $0x1  }
0x15: {  	[smem:$0x3FB9] =	sst s0;
	s0 =	simm.s32 @!p2 $0x0  }
0x16: {  	s3 =	sld [smem:$0x3FDB];
	s0 =	simm.s32 @p2 $0x1  }
0x17: {  	s4 =	simm.s32 $0x1BF5;
	[smem:$0x3FBB] =	sst s0  }
0x18: {  	s0 =	sld [smem:$0x3F9E];
	_ =	swait.ge [sflag:s4], $0x0  }
0x19: {  	s7 =	sld [smem:$0x3F9F]  }
0x1a: {  	s8 =	sadd.s32 $0xFFFFE003, lr  }
0x1b: {  	s9 =	sadd.s32 $0xFFFFFEF7, lr;
	s5 =	simm.s32 $0xFFFFFFFF;
	p2 =	slt.u32 s8, $0xFFFFF086  }
0x1c: {  	p1 =	slt.u32 s9, $0xF7A;
	s5 =	simm.s32 @!p2 $0x0  }
0x1d: {  	s5 =	simm.s32 @p1 $0x1;
	p0 =	seq.s32 s7, s2  }
0x1e: {  	s7 =	smul.u32 @!p0 $0xF7A, s2;
	p2 =	seq.s32 @!p0 s5, $0x0  }
0x1f: {  	s9 =	smul.u32 $0xF7A, s1;
	s8 =	simm.s32 @!p0 $0x1BF5;
	p2 =	por !p2, p0  }
0x20: {  	[sflag:s8] =	ssyncset.s32 @!p0 $0xFFFFF086;
	s6 =	sadd.s32 @!p0 s3, s7;
	s7 =	simm.s32 @!p0 $0x108  }
0x21: {  	s3 =	sadd.s32 s3, s9;
	s6 =	sadd.s32 @!p0 $0x88, s6;
	s7 =	simm.s32 @p2 $0x1082  }
0x22: {  	[simem:s7], [sflag:s8] =	dma.local @!p0 [hbm:s6], $0xF7A  }
0x23: {  	s9 =	sor.u32 $0xD0000000, s2;
	s6 =	simm.s32 $0x108;
	_ =	swait.ge @!p0 [sflag:s8], $0x0  }
0x24: {  	s3 =	sadd.s32 $0x88, s3;
	s6 =	simm.s32 @!p1 $0x1082;
	[sflag:s4] =	ssyncset.s32 $0xFFFFF086  }
0x25: {  	[simem:s6], [sflag:s4] =	dma.local [hbm:s3], $0xF7A  }
0x26: {  	[smem:$0x3F9F] =	sst s1;
	(tag) =	ssettag s2;
	_ =	strace s9  }
0x27: {  	s1 =	sld [smem:$0x3FAF]  }
0x28: {  	s2 =	sld [smem:$0x3FB0]  }
0x29: {  	s4 =	sld [smem:$0x3FB2]  }
0x2a: {  	p0 =	seq.s32 s5, $0x0;
	s5 =	sld [smem:$0x3FB3]  }
0x2b: {  	s6 =	sld [smem:$0x3FB4]  }
0x2c: {  	s7 =	sld [smem:$0x3FB5]  }
0x2d: {  	s3 =	simm.s32 $0x108;
	s8 =	sld [smem:$0x3FB6]  }
0x2e: {  	s3 =	simm.s32 @!p0 $0x1082;
	s9 =	sld [smem:$0x3FB7]  }
0x2f: {  	lr =	sadd.s32 s0, s3;
	s0 =	sld [smem:$0x3FAE]  }
0x30: {  	s3 =	sld [smem:$0x3FB1]  }
0x31: {  	[smem:$0x3FBA] =	sst s10  }
0x32: {  	s10 =	sld [smem:$0x3FB8];
	_ =	sdelay $0x3  }
0x33: {  	p0 =	seq.s32 s10, $0x1;
	s10 =	sld [smem:$0x3FBA];
	_ =	sdelay $0x3  }
0x34: {  	[smem:$0x3FBA] =	sst s10  }
0x35: {  	s10 =	sld [smem:$0x3FB9];
	_ =	sdelay $0x3  }
0x36: {  	p1 =	seq.s32 s10, $0x1;
	s10 =	sld [smem:$0x3FBA];
	_ =	sdelay $0x3  }
0x37: {  	[smem:$0x3FBA] =	sst s10  }
0x38: {  	s10 =	sld [smem:$0x3FBB]  }
0x39: {  	_ = 	snop;
	(pc) =	sbr.ind lr, $3  }
0x3a: {  	_ = 	snop  }
0x3b: {  	_ = 	snop  }
0x3c: {  	p2 =	seq.s32 s10, $0x1;
	s10 =	sld [smem:$0x3FBA]  }
0x3d: {  	_ =	shalt  }
0x3e: {  	_ =	shalt  }
0x3f: {  	_ =	shalt  }
0x40: {  	_ =	shalt  }
0x41: {  	_ =	shalt  }
0x42: {  	_ =	shalt  }
0x43: {  	_ =	shalt  }
0x44: {  	_ =	shalt  }
0x45: {  	_ =	shalt  }
0x46: {  	_ =	shalt  }
0x47: {  	_ =	shalt  }
0x48: {  	_ =	shalt  }
0x49: {  	_ =	shalt  }
0x4a: {  	_ =	shalt  }
0x4b: {  	_ =	shalt  }
0x4c: {  	_ =	shalt  }
0x4d: {  	_ =	shalt  }
0x4e: {  	_ =	shalt  }
0x4f: {  	_ =	shalt  }
0x50: {  	_ =	shalt  }
0x51: {  	_ =	shalt  }
0x52: {  	_ =	shalt  }
0x53: {  	_ =	shalt  }
0x54: {  	_ =	shalt  }
0x55: {  	_ =	shalt  }
0x56: {  	_ =	shalt  }
0x57: {  	_ =	shalt  }
0x58: {  	_ =	shalt  }
0x59: {  	_ =	shalt  }
0x5a: {  	_ =	shalt  }
0x5b: {  	_ =	shalt  }
0x5c: {  	_ =	shalt  }
0x5d: {  	_ =	shalt  }
0x5e: {  	_ =	shalt  }
0x5f: {  	_ =	shalt  }
0x60: {  	_ =	shalt  }
0x61: {  	_ =	shalt  }
0x62: {  	_ =	shalt  }
0x63: {  	_ =	shalt  }
0x64: {  	_ =	shalt  }
0x65: {  	_ =	shalt  }
0x66: {  	_ =	shalt  }
0x67: {  	_ =	shalt  }
0x68: {  	_ =	shalt  }
0x69: {  	_ =	shalt  }
0x6a: {  	_ =	shalt  }
0x6b: {  	_ =	shalt  }
0x6c: {  	_ =	shalt  }
0x6d: {  	_ =	shalt  }
0x6e: {  	_ =	shalt  }
0x6f: {  	_ =	shalt  }
0x70: {  	_ =	shalt  }
0x71: {  	_ =	shalt  }
0x72: {  	_ =	shalt  }
0x73: {  	_ =	shalt  }
0x74: {  	_ =	shalt  }
0x75: {  	_ =	shalt  }
0x76: {  	_ =	shalt  }
0x77: {  	_ =	shalt  }
0x78: {  	_ =	shalt  }
0x79: {  	_ =	shalt  }
0x7a: {  	_ =	shalt  }
0x7b: {  	_ =	shalt  }
0x7c: {  	_ =	shalt  }
0x7d: {  	_ =	shalt  }
0x7e: {  	_ =	shalt  }
0x7f: {  	_ =	shalt  }
0x80: {  	_ =	shalt  }
0x81: {  	_ =	shalt  }
0x82: {  	_ =	shalt  }
0x83: {  	_ =	shalt  }
0x84: {  	_ =	shalt  }
0x85: {  	_ =	shalt  }
0x86: {  	_ =	shalt  }
0x87: {  	_ =	shalt  }
.Lfunc_end0:
.L_simem_size_0:
called_computation_lowered:
.L_overlay_start_0:
0x88: {  	s2 =	sld [smem:$0x3FD9]  }
0x89: {  	s3 =	sld [smem:$0x3FFE];
	_ =	sdelay $0x1  }
0x8a: {  	s1 =	srdreg.scid  }
0x8b: {  	s0 =	sand.u32 $0x1, s1  }
0x8c: {  	s17 =	sshll.u32 s0, $0xA;
	s2 =	sadd.s32 s3, s2  }
0x8d: {  	s2 =	sadd.s32 s2, s17  }
0x8e: {  	[smem:$0x3FC6] =	sst s2  }
0x8f: {  	_ = 	snop  }
0x90: {  	s2 =	sld [smem:$0x3FD0];
	(tm) =	ssettm $0x1  }
0x91: {  	s18 =	sld [smem:$0x3FFB];
	_ =	sdelay $0x3  }
0x92: {  	_ =	strace s18  }
0x93: {  	s3 =	sld [smem:$0x3FFC];
	_ =	sdelay $0x3  }
0x94: {  	_ =	strace s3  }
0x95: {  	s3 =	sld [smem:$0x3FFD];
	_ =	sdelay $0x3  }
0x96: {  	_ =	strace s3  }
0x97: {  	_ =	strace $0x8FFFFFFF  }
0x98: {  	s19 =	sld [smem:$0x3FDB];
	_ =	sdelay $0x1  }
0x99: {  	s4 =	simm.s32 $_scs_section_size  }
0x9a: {  	s5 =	simm.s32 $_size__tile_overlayer_lowered;
	s6 =	simm.s32 $_tile_overlayer_lowered  }
0x9b: {  	s22 =	simm.s32 $0x1BFF;
	s21 =	sshll.u32 s6, $0x1;
	s3 =	sadd.s32 s4, s19  }
0x9c: {  	s7 =	simm.s32 $0x0;
	s20 =	sshll.u32 s5, $0x1;
	s5 =	sadd.s32 s21, s3  }
0x9d: {  	[timem:s7], [sflag:s22] =	dma.local [hbm:s5], s20  }
0x9e: {  	_ =	swait.ge [sflag:s22], s20  }
0x9f: {  	s4 =	ssub.s32 $0x0, s20;
	[sflag:s22] =	ssyncset.done $0x0  }
0xa0: {  	[sflag:s22] =	ssyncadd.s32 s4;
	_ =	sdelay $0x1  }
0xa1: {  	s23 =	simm.s32 $0x1B8B  }
0xa2: {  	_ =	swait.ge [sflag:s23], $0x1  }
0xa3: {  	[sflag:s23] =	ssyncset.done $0x0  }
0xa4: {  	s25 =	simm.s32 $0x1B8E;
	s24 =	sld [smem:$0x3FFE];
	[sflag:s23] =	ssyncadd.s32 $0xFFFFFFFF  }
0xa5: {  	s26 =	simm.s32 $execute0_lowered;
	[smem:$0x3FD2] =	sst s25  }
0xa6: {  	s5 =	sshll.u32 s26, $0x1;
	_ =	strace $0x80000046;
	[dreg:$0x1] =	wrdreg $0xFFFFFFFF  }
0xa7: {  	s28 =	simm.s32 $_size_execute0_lowered;
	s3 =	sadd.s32 s3, s5;
	[dreg:$0x0] =	wrdreg $0x0  }
0xa8: {  	s5 =	sshll.u32 s28, $0x1;
	[dreg:$0x2] =	wrdreg s3  }
0xa9: {  	[dreg:$0x3] =	wrdreg s5  }
0xaa: {  	[dreg:$0x4] =	wrdreg $0xC0  }
0xab: {  	_ =	task [dreg:s7], $0x5FFFF  }
0xac: {  	[dreg:$0x1] =	wrdreg $0xFFFFFFFF  }
0xad: {  	[dreg:$0x0] =	wrdreg $0x60  }
0xae: {  	[dreg:$0x2] =	wrdreg s2  }
0xaf: {  	[dreg:$0x3] =	wrdreg s24  }
0xb0: {  	[dreg:$0x4] =	wrdreg $0x9  }
0xb1: {  	_ =	task.clear_ibuf [dreg:s7], $0x5FFFF;
	_ =	strace $0x90000046  }
0xb2: {  	s29 =	simm.s32 $0x9;
	_ =	strace $0x8000004F  }
0xb3: {  	_ =	swait.ge [sflag:s29], $0x1  }
0xb4: {  	[sflag:s29] =	ssyncadd.s32 $0xFFFFFFFF  }
0xb5: {  	_ =	strace $0x9000004F  }
0xb6: {  	_ =	sfence  }
0xb7: {  	s30 =	sld [smem:$0x0];
	_ =	sdelay $0x2  }
0xb8: {  	s31 =	sshll.u32 s1, $0xD;
	s1 =	sshrl.u32 s1, $0x2  }
0xb9: {  	s3 =	sand.u32 $0x4000, s31;
	s1 =	sadd.s32 s1, s30  }
0xba: {  	s0 =	sor.u32 s3, s0;
	s1 =	sshll.u32 s1, $0x11  }
0xbb: {  	s0 =	sor.u32 s1, s0  }
0xbc: {  	s0 =	sadd.s32 $0x8F2B, s0  }
0xbd: {  	[sflag:s0] =	ssyncadd.remote.s32 $0x1  }
0xbe: {  	_ =	sfence.sel $0xFFFF  }
0xbf: {  	[dreg:$0x0] =	wrdreg $0xFFFFFFFF;
	(pc) =	sbr.abs _section_cstart, $3  }
0xc0: {  	[dreg:$0x1] =	wrdreg $0xFFFFFFFF  }
0xc1: {  	_ =	task.clear_ibuf [dreg:s7], $0x2FFFF;
	_ =	strace $0x9FFFFFFF  }
0xc2: {  	(tm) =	ssettm $0x7FFFFFFF  }
0xc3: {  	_ =	shalt  }
tec
execute0_lowered:
.L_overlay_start_1:
0x0: {  	(tag) =	ssettag $0x1  }
0x1: {  	s0 =	rddreg [dreg:$0x0]  }
0x2: {  	s3 =	rddreg [dreg:$0x1]  }
0x3: {  	s1 =	srdreg.scid;
	s2 =	simm.s32 $0x0;
	s8 =	simm.s32 $0x190  }
0x4: {  	s9 =	simm.s32 $0x5;
	s10 =	simm.s32 $0x4;
	[dreg:$0x3] =	wrdreg s0  }
0x5: {  	s11 =	simm.s32 $0x0;
	s4 =	sand.u32 $0x1, s1;
	[smem:$0x7FF] =	sst s2  }
0x6: {  	s1 =	stileid.u32;
	s6 =	sadd.s32 $0x6800, s3;
	s5 =	sshll.u32 s4, $0x4  }
0x7: {  	s3 =	sadd.s32 $0x400, s3;
	s4 =	ssub.s32 $0x2, s4;
	s5 =	sor.u32 s1, s5  }
0x8: {  	_ =	strace $0x80000047;
	s31 =	sshrl.u32 s4, $0x1;
	s7 =	smul.u32 $0x320, s5  }
0x9: {  	[dreg:$0x4] =	wrdreg s6;
	s6 =	ssub.s32 s4, s31;
	s4 =	sshll.u32 s5, $0x4  }
0xa: {  	s6 =	smax.u32 s6, $0x1;
	s5 =	sadd.s32 s3, s7;
	s7 =	simm.s32 $0x1  }
.LBB2_1:
0xb: {  	_ =	strace $0x80000048;
	s13 =	simm.s32 $0x1  }
0xc: {  	p0 =	por $0x0, $0x0;
	p1 =	por $0x1, $0x1;
	s21 =	sand.u32 $0x1, s2  }
0xd: {  	[tilespmem:s2], [sflag:$0x1] =	stream.linear.gather [hbm4b:s5+s2], $0x190, $0x200038;
	[tilespmem:$0x19380] =	vst v63  }
0xe: {  	p4 =	por $0x1, $0x1;
	s20 =	sadd.s32 $0x0, s4;
	s13 =	simm.s32 @p0 $0x0  }
0xf: {  	s24 =	simm.s32 $0x190;
	p6 =	por $0x0, $0x0;
	p0 =	sne.s32 s13, $0x0  }
0x10: {  	p5 =	por $0x1, $0x1;
	s28 =	simm.s32 $0x1;
	p1 =	por !p1, !p0  }
0x11: {  	s26 =	sadd.s32 $0x1, s21;
	s17 =	sand.u32 @!p4 $0x1, s2;
	p1 =	por !p1, !p1  }
0x12: {  	p3 =	seq.s32 s21, $0x1;
	s31 =	smul.u32 $0x32000, s21;
	s12 =	sadd.s32 @p1 s4, s13  }
0x13: {  	_ =	strace $0x90000048;
	s14 =	sand.u32 @p1 $0x1, s7;
	s12 =	smul.u32 @p1 $0x190, s12  }
0x14: {  	s18 =	sadd.s32 $0x1, s13;
	p2 =	por p0, p0;
	s15 =	smul.u32 @p1 $0x640, s14  }
0x15: {  	s16 =	simm.s32 @p1 $0x0;
	_ =	strace @p1 $0x80000049;
	s12 =	sshrl.u32 @p1 s12, $0x3  }
0x16: {  	s14 =	sadd.s32 @p1 $0x1, s14;
	s15 =	sshrl.u32 @p1 s15, $0x2;
	s12 =	sadd.s32 @p1 s3, s12  }
0x17: {  	[tilespmem:s15], [sflag:s14] =	stream.linear.gather @p1 [hbm4b:s12+s16], $0x190, $0x200038;
	[tilespmem:$0x19380] =	vst v63  }
0x18: {  	s24 =	simm.s32 @!p3 $0x0;
	p6 =	por p6, p2;
	_ =	strace @p1 $0x90000049  }
0x19: {  	p0 =	por $0x0, $0x0;
	s30 =	smul.u32 @p6 $0xC800, s20;
	_ =	strace $0x8000004A  }
0x1a: {  	s20 =	simm.s32 $0x0;
	s12 =	simm.s32 $0xF;
	_ =	swait.ge [sflag:s26], $0x190  }
0x1b: {  	s15 =	simm.s32 $0x1;
	s16 =	simm.s32 $0xE;
	[sflag:s26] =	ssyncset.done $0x0  }
0x1c: {  	s14 =	sshrl.u32 s31, $0x2;
	s15 =	simm.s32 @!p1 $0x0;
	[sflag:s26] =	ssyncadd.s32 $0xFFFFFE70  }
0x1d: {  	p1 =	por p4, p4;
	s22 =	sor.u32 $0x380, s14;
	_ =	strace $0x9000004A  }
0x1e: {  	s19 =	sadd.s32 @!p1 $0x3, s17;
	s17 =	simm.s32 $0x1;
	_ =	strace $0x8000004B  }
0x1f: {  	s17 =	simm.s32 @!p0 $0x0;
	p0 =	seq.s32 s18, $0x10;
	s23 =	rddreg [dreg:$0x3]  }
0x20: {  	[tilespmem:s22], [sflag:$0x5] =	stream.indirect.gather [hbm4b:s23+s8], $0x80, s24, s8, $0x2000b8;
	[tilespmem:$0x19380] =	vst v63  }
0x21: {  	p4 =	por $0x0, $0x0;
	s18 =	simm.s32 @p0 $0x0;
	_ =	swait.ge [sflag:s9], $0xC800  }
0x22: {  	s15 =	sadd.s32 $0x1, s15;
	p3 =	sne.s32 s13, s18;
	[sflag:s9] =	ssyncset.done $0x0  }
0x23: {  	s14 =	sadd.s32 $0x0, s17;
	p5 =	por !p5, !p3;
	[sflag:s9] =	ssyncadd.s32 $0xFFFF3800  }
0x24: {  	s17 =	simm.s32 $0x0;
	p2 =	por !p5, !p5;
	_ =	strace $0x9000004B  }
0x25: {  	s26 =	simm.s32 @p6 $0x0;
	s28 =	simm.s32 @!p2 $0x0;
	_ =	strace @p6 $0x8000004C  }
0x26: {  	s23 =	sadd.s32 @p2 s4, s18;
	s24 =	sand.u32 @p2 $0x1, s15;
	s29 =	rddreg [dreg:$0x4]  }
.LBB2_2:
0x27: {  	p0 =	por p3, p3  }
0x28: {  	s31 =	smul.u32 @p2 $0x190, s23;
	s0 =	smov.u32 s13;
	s13 =	simm.s32 @!p0 $0x0  }
0x29: {  	s15 =	sadd.s32 s28, s15;
	s28 =	sshrl.u32 @p6 s30, $0x3;
	s13 =	simm.s32 @p0 $0x1  }
0x2a: {  	s21 =	sadd.s32 @p6 $0x3, s21;
	s28 =	sadd.s32 @p6 s29, s28;
	[smem:$0x7FD] =	sst s13  }
0x2b: {  	[hbm4b:s28+s26] =	stream.linear.scatter @p6 [tilespmem:s22], [sflag:s21], $0xC800, $0x200038;
	[tilespmem:$0x19380] =	vst v63  }
0x2c: {  	s25 =	sand.u32 @!p4 $0x1, s14;
	s23 =	smov.u32 s12;
	_ =	strace @p6 $0x9000004C  }
0x2d: {  	s12 =	smov.u32 s16;
	s16 =	sadd.s32 $0xFFFFFFFF, s16;
	_ =	strace @!p1 $0x8000004D  }
0x2e: {  	p5 =	sne.s32 s16, $0x0;
	s30 =	sshrl.u32 @p2 s31, $0x3;
	_ =	swait.ge @!p1 [sflag:s19], $0xC800  }
0x2f: {  	s29 =	simm.s32 $0x1;
	s13 =	smul.u32 @p2 $0x640, s24;
	[sflag:s19] =	ssyncset.done @!p1 $0x0  }
0x30: {  	s29 =	simm.s32 @!p6 $0x0;
	s26 =	sadd.s32 @p2 s3, s30;
	[sflag:s19] =	ssyncadd.s32 @!p1 $0xFFFF3800  }
0x31: {  	s20 =	sadd.s32 s29, s20;
	s22 =	sshrl.u32 @p2 s13, $0x2;
	_ =	strace @!p1 $0x9000004D  }
0x32: {  	s19 =	sadd.s32 @p2 $0x1, s24;
	s24 =	simm.s32 @p2 $0x0;
	_ =	strace @p2 $0x80000049  }
0x33: {  	[tilespmem:s22], [sflag:s19] =	stream.linear.gather @p2 [hbm4b:s26+s24], $0x190, $0x200038;
	[tilespmem:$0x19380] =	vst v63  }
0x34: {  	s0 =	sadd.s32 s4, s0;
	s31 =	sand.u32 $0x1, s20;
	_ =	strace @p2 $0x90000049  }
0x35: {  	p0 =	sne.s32 s12, $0x1;
	s24 =	sadd.s32 $0x1, s31;
	_ =	strace $0x8000004A  }
0x36: {  	s17 =	sadd.s32 s29, s17;
	s13 =	smov.u32 s18;
	_ =	swait.ge [sflag:s24], $0x190  }
0x37: {  	s21 =	sand.u32 $0x1, s17;
	s18 =	sadd.s32 $0x1, s18;
	[sflag:s24] =	ssyncset.done $0x0  }
0x38: {  	p1 =	por p4, p4;
	s26 =	smul.u32 $0x32000, s21;
	[sflag:s24] =	ssyncadd.s32 $0xFFFFFE70  }
0x39: {  	p3 =	seq.s32 s31, $0x1;
	s19 =	sadd.s32 @!p1 $0x3, s25;
	_ =	strace $0x9000004A  }
0x3a: {  	s22 =	sshrl.u32 s26, $0x2;
	s26 =	simm.s32 $0x190;
	_ =	strace $0x8000004B  }
0x3b: {  	s22 =	sor.u32 $0x380, s22;
	s26 =	simm.s32 @!p3 $0x0;
	s31 =	rddreg [dreg:$0x3]  }
0x3c: {  	[tilespmem:s22], [sflag:$0x5] =	stream.indirect.gather [hbm4b:s31+s8], $0x80, s26, s8, $0x2000b8;
	[tilespmem:$0x19380] =	vst v63  }
0x3d: {  	s25 =	simm.s32 $0x1;
	p2 =	sne.s32 s23, $0x10;
	_ =	swait.ge [sflag:s9], $0xC800  }
0x3e: {  	s25 =	simm.s32 @!p2 $0x0;
	p2 =	seq.s32 s18, $0x10;
	s31 =	sld [smem:$0x7FD]  }
0x3f: {  	s28 =	simm.s32 $0x1;
	p4 =	seq.s32 s12, $0x10;
	s18 =	simm.s32 @p2 $0x0  }
0x40: {  	s14 =	sadd.s32 s25, s14;
	p2 =	seq.s32 s23, $0x1;
	p3 =	sne.s32 s13, s18  }
.Ltmp0:
0x41: {  	[sflag:s9] =	ssyncset.done $0x0;
	p6 =	seq.s32 s31, $0x1;
	(pc) =	sbr.rel @p5 .LBB2_2-.Ltmp0, $4  }
0x42: {  	p0 =	por !p0, !p3;
	[sflag:s9] =	ssyncadd.s32 $0xFFFF3800;
	p6 =	por p2, p6  }
0x43: {  	_ =	strace $0x9000004B;
	p2 =	por !p0, !p0;
	s26 =	simm.s32 @p6 $0x0  }
0x44: {  	s23 =	sadd.s32 @p2 s4, s18;
	s28 =	simm.s32 @!p2 $0x0;
	_ =	strace @p6 $0x8000004C  }
0x45: {  	s24 =	sand.u32 @p2 $0x1, s15;
	s30 =	smul.u32 @p6 $0xC800, s0;
	s29 =	rddreg [dreg:$0x4]  }
0x46: {  	_ = 	snop  }
0x47: {  	s0 =	sshrl.u32 @p6 s30, $0x3  }
0x48: {  	s15 =	sadd.s32 @p6 $0x3, s21;
	s0 =	sadd.s32 @p6 s29, s0  }
0x49: {  	[hbm4b:s0+s26] =	stream.linear.scatter @p6 [tilespmem:s22], [sflag:s15], $0xC800, $0x200038;
	[tilespmem:$0x19380] =	vst v63  }
0x4a: {  	_ =	strace @p6 $0x9000004C  }
0x4b: {  	s16 =	smul.u32 @p2 $0x640, s24;
	_ =	strace @!p1 $0x8000004D  }
0x4c: {  	s0 =	smul.u32 @p2 $0x190, s23;
	_ =	swait.ge @!p1 [sflag:s19], $0xC800  }
0x4d: {  	s16 =	sshrl.u32 @p2 s16, $0x2;
	s15 =	simm.s32 $0x1;
	[sflag:s19] =	ssyncset.done @!p1 $0x0  }
0x4e: {  	s15 =	simm.s32 @!p6 $0x0;
	s0 =	sshrl.u32 @p2 s0, $0x3;
	[sflag:s19] =	ssyncadd.s32 @!p1 $0xFFFF3800  }
0x4f: {  	s18 =	sadd.s32 s15, s20;
	s20 =	simm.s32 @p2 $0x0;
	_ =	strace @!p1 $0x9000004D  }
0x50: {  	s0 =	sadd.s32 @p2 s3, s0;
	s19 =	sadd.s32 @p2 $0x1, s24;
	_ =	strace @p2 $0x80000049  }
0x51: {  	[tilespmem:s16], [sflag:s19] =	stream.linear.gather @p2 [hbm4b:s0+s20], $0x190, $0x200038;
	[tilespmem:$0x19380] =	vst v63  }
0x52: {  	s26 =	sand.u32 $0x1, s18;
	_ =	strace @p2 $0x90000049  }
0x53: {  	s28 =	sadd.s32 $0x1, s26;
	_ =	strace $0x8000004A  }
0x54: {  	s15 =	sadd.s32 s15, s17;
	_ =	swait.ge [sflag:s28], $0x190  }
0x55: {  	s15 =	sand.u32 $0x1, s15;
	[sflag:s28] =	ssyncset.done $0x0  }
0x56: {  	s29 =	smul.u32 $0x32000, s15;
	[sflag:s28] =	ssyncadd.s32 $0xFFFFFE70  }
0x57: {  	p0 =	seq.s32 s26, $0x1;
	_ =	strace $0x9000004A  }
0x58: {  	s31 =	sshrl.u32 s29, $0x2;
	s16 =	simm.s32 $0x190;
	_ =	strace $0x8000004B  }
0x59: {  	s0 =	sor.u32 $0x380, s31;
	s16 =	simm.s32 @!p0 $0x0;
	s30 =	rddreg [dreg:$0x3]  }
0x5a: {  	[tilespmem:s0], [sflag:$0x5] =	stream.indirect.gather [hbm4b:s30+s8], $0x80, s16, s8, $0x2000b8;
	[tilespmem:$0x19380] =	vst v63  }
0x5b: {  	_ =	swait.ge [sflag:s9], $0xC800  }
0x5c: {  	p5 =	por p3, p3;
	p6 =	seq.s32 s12, $0x1;
	[sflag:s9] =	ssyncset.done $0x0  }
0x5d: {  	s12 =	sadd.s32 s4, s13;
	p0 =	por p6, p5;
	[sflag:s9] =	ssyncadd.s32 $0xFFFF3800  }
0x5e: {  	s12 =	smul.u32 @p0 $0xC800, s12;
	_ =	strace $0x9000004B  }
0x5f: {  	_ =	strace @p0 $0x8000004C  }
0x60: {  	s12 =	sshrl.u32 @p0 s12, $0x3;
	s13 =	rddreg [dreg:$0x4]  }
0x61: {  	s15 =	sadd.s32 @p0 $0x3, s15;
	s16 =	simm.s32 @p0 $0x0;
	s12 =	sadd.s32 @p0 s13, s12  }
0x62: {  	[hbm4b:s12+s16] =	stream.linear.scatter @p0 [tilespmem:s0], [sflag:s15], $0xC800, $0x200038;
	[tilespmem:$0x19380] =	vst v63  }
0x63: {  	p1 =	por p4, p4;
	s0 =	sand.u32 @!p4 $0x1, s14;
	_ =	strace @p0 $0x9000004C  }
0x64: {  	s0 =	sadd.s32 @!p1 $0x3, s0;
	_ =	strace @!p1 $0x8000004D  }
0x65: {  	_ =	swait.ge @!p1 [sflag:s0], $0xC800  }
0x66: {  	[sflag:s0] =	ssyncset.done @!p1 $0x0  }
0x67: {  	s11 =	sadd.s32 $0x1, s11;
	[sflag:s0] =	ssyncadd.s32 @!p1 $0xFFFF3800  }
0x68: {  	p0 =	sne.s32 s11, s6;
	_ =	strace @!p1 $0x9000004D  }
.Ltmp1:
0x69: {  	_ =	strace $0x8000004E;
	(pc) =	sbr.rel @p0 .LBB2_1-.Ltmp1, $4  }
0x6a: {  	_ =	swait.ge [sflag:s10], $0xC800  }
0x6b: {  	[sflag:s10] =	ssyncset.done $0x0  }
0x6c: {  	[sflag:s10] =	ssyncadd.s32 $0xFFFF3800  }
0x6d: {  	_ =	strace $0x9000004E  }
0x6e: {  	_ =	sfence.sel $0x180000  }
0x6f: {  	[bflag:$0x0] =	sbarrier.arrive $0xFFFF  }
0x70: {  	_ =	strace $0x90000047  }
0x71: {  	[bflag:$0x2] =	sbarrier.arrive $0xFFFF  }
0x72: {  	p0 =	sne.s32 s1, $0x0;
	s0 =	rddreg [dreg:$0x2]  }
0x73: {  	s0 =	sadd.s32 @!p0 $0x100000, s0  }
0x74: {  	[sflag:s0] =	ssyncadd.tile.s32 @!p0 $0x1;
	_ =	shalt  }
.Lfunc_end2:
_tile_overlayer_lowered:
.L_overlay_start_2:
0x75: {  	(tag) =	ssettag $0x2  }
0x76: {  	s0 =	rddreg [dreg:$0x0];
	s2 =	stileid.u32  }
0x77: {  	s1 =	rddreg [dreg:$0x1];
	p0 =	sne.s32 s2, $0x0  }
0x78: {  	s3 =	rddreg [dreg:$0x2];
	[bflag:$0x3] =	sbarrier.arrive $0xFFFF;
	s2 =	simm.s32 @!p0 $0x1C01  }
0x79: {  	[timem:s3], [sflag:s2] =	dma.local @!p0 [hbm:s0], s1  }
0x7a: {  	s0 =	simm.s32 @!p0 $0x1  }
0x7b: {  	_ =	swait.ge @!p0 [sflag:s0], s1  }
0x7c: {  	s1 =	ssub.s32 @!p0 $0x0, s1;
	[sflag:s0] =	ssyncset.done @!p0 $0x0  }
0x7d: {  	[sflag:s0] =	ssyncadd.s32 @!p0 s1  }
0x7e: {  	[bflag:$0x3] =	sbarrier.arrive $0xFFFF  }
0x7f: {  	_ =	shalt  }

</sc_bundles>
